<compile_context>
chip_gen: v7x
topology: tpu7x:2x2x1
jax: 0.10.2.dev20260603
libtpu: 0.0.44.dev20260713+nightly
codegen_flags: <defaults>
</compile_context>

<pallas_src>
import functools

import jax
import jax.numpy as jnp
from jax import lax
from jax.experimental import pallas as pl
from jax.experimental.pallas import tpu as pltpu
from jax.experimental.pallas import tpu_sc as plsc

N_NODES = 10000
N_EDGES = 320000
D = 128

NC = 2
NS = 16
NW = NC * NS
CHUNK = 200
NCHUNK = 50
EDGES_PER_TILE = CHUNK * NCHUNK
N_PAD = 10240
ROWS_PER_TILE = N_PAD // NS

_BLK = 2000


def _mm_relu_body(x_ref, w_ref, b_ref, o_ref):
    z = jnp.dot(x_ref[...], w_ref[...], preferred_element_type=jnp.float32)
    o_ref[...] = jnp.maximum(z + b_ref[...], 0.0).astype(jnp.bfloat16)


def _mm_relu(x, w, b):
    n = x.shape[0]
    return pl.pallas_call(
        _mm_relu_body,
        grid=(n // _BLK,),
        in_specs=[
            pl.BlockSpec((_BLK, D), lambda i: (i, 0)),
            pl.BlockSpec((D, D), lambda i: (0, 0)),
            pl.BlockSpec((1, D), lambda i: (0, 0)),
        ],
        out_specs=pl.BlockSpec((_BLK, D), lambda i: (i, 0)),
        out_shape=jax.ShapeDtypeStruct((n, D), jnp.bfloat16),
    )(x, w, b.reshape(1, D))


def _final_mm_body(p_ref, w_ref, b_ref, o_ref):
    agg = (p_ref[0].astype(jnp.float32) + p_ref[1].astype(jnp.float32))
    o_ref[...] = (
        jnp.dot(agg, w_ref[...], preferred_element_type=jnp.float32)
        + b_ref[...])


def _final_mm(partials, w, b):
    n = N_NODES
    return pl.pallas_call(
        _final_mm_body,
        grid=(n // _BLK,),
        in_specs=[
            pl.BlockSpec((NC, _BLK, D), lambda i: (0, i, 0)),
            pl.BlockSpec((D, D), lambda i: (0, 0)),
            pl.BlockSpec((1, D), lambda i: (0, 0)),
        ],
        out_specs=pl.BlockSpec((_BLK, D), lambda i: (i, 0)),
        out_shape=jax.ShapeDtypeStruct((n, D), jnp.float32),
    )(partials, w, b.reshape(1, D))


def _sc_edge_body(edges_hbm, z_hbm, out_hbm,
                  src_all, dst_all, rows0, rows1, agg_sh, sem0, sem1):
    cid = lax.axis_index("c")
    sid = lax.axis_index("s")

    row_base = sid * ROWS_PER_TILE
    with jax.named_scope("init_zero_idx"):
        zvec = jnp.zeros((32,), jnp.bfloat16)

        @pl.loop(0, CHUNK)
        def _zero_row(r):
            for c in range(D // 32):
                rows0[r, pl.ds(c * 32, 32)] = zvec

        for r in range(0, ROWS_PER_TILE, CHUNK):
            nrows = min(ROWS_PER_TILE - r, CHUNK)
            pltpu.sync_copy(rows0.at[pl.ds(0, nrows)],
                            agg_sh.at[pl.ds(row_base + r, nrows)])

        wid = cid * NS + sid
        ebase = wid * EDGES_PER_TILE
        pltpu.sync_copy(edges_hbm.at[pl.ds(ebase, EDGES_PER_TILE)], src_all)
        pltpu.sync_copy(edges_hbm.at[pl.ds(N_EDGES + ebase, EDGES_PER_TILE)],
                        dst_all)
        plsc.subcore_barrier()

    bufs = (rows0, rows1)
    sems = (sem0, sem1)

    def src_at(i):
        return src_all.at[pl.ds(i * CHUNK, CHUNK)]

    def dst_at(i):
        return dst_all.at[pl.ds(i * CHUNK, CHUNK)]

    with jax.named_scope("edge_loop"):
        pltpu.async_copy(z_hbm.at[src_at(0)], rows0, sem0)
        pltpu.async_copy(z_hbm.at[src_at(1)], rows1, sem1)

        @pl.loop(0, NCHUNK, step=2)
        def _chunk(i):
            for b in range(2):
                idx = i + b
                pltpu.make_async_copy(z_hbm.at[src_at(idx)],
                                      bufs[b], sems[b]).wait()
                pltpu.sync_copy(bufs[b], agg_sh.at[dst_at(idx)], add=True)
                nxt = idx + 2

                @pl.when(nxt < NCHUNK)
                def _():
                    pltpu.async_copy(z_hbm.at[src_at(nxt)], bufs[b], sems[b])

    with jax.named_scope("dump"):
        plsc.subcore_barrier()
        pltpu.sync_copy(agg_sh.at[pl.ds(row_base, ROWS_PER_TILE)],
                        out_hbm.at[cid, pl.ds(row_base, ROWS_PER_TILE)])


_sc_edge = functools.partial(
    pl.kernel,
    out_type=jax.ShapeDtypeStruct((NC, N_PAD, D), jnp.bfloat16),
    compiler_params=pltpu.CompilerParams(use_tc_tiling_on_sc=False),
    mesh=plsc.VectorSubcoreMesh(
        core_axis_name="c", subcore_axis_name="s",
        num_cores=NC, num_subcores=NS),
    scratch_types=[
        pltpu.VMEM((EDGES_PER_TILE,), jnp.int32),
        pltpu.VMEM((EDGES_PER_TILE,), jnp.int32),
        pltpu.VMEM((CHUNK, D), jnp.bfloat16),
        pltpu.VMEM((CHUNK, D), jnp.bfloat16),
        pltpu.VMEM_SHARED((N_PAD, D), jnp.bfloat16),
        pltpu.SemaphoreType.DMA,
        pltpu.SemaphoreType.DMA,
    ],
)(_sc_edge_body)


def kernel(node_feats, edge_index, W_msg, b_msg, W_out, b_out):
    edges = edge_index.astype(jnp.int32).reshape(2 * N_EDGES)
    z = _mm_relu(node_feats, W_msg, b_msg)
    partials = _sc_edge(edges, z)
    return _final_mm(partials, W_out, b_out)

# --- scband reference (transcript-rebuilt; emitter-appended) ---
"""Pipeline reference for scband-mplayer-82858509074697 (READ-ONLY COPY).

The authoritative reference and input builder live on the scoring server;
editing this copy changes nothing except your own understanding.
"""

import jax, jax.numpy as jnp
import numpy as np

N_NODES = 10000
N_EDGES = 320000
D_IN = 128
D_OUT = 128

def setup_inputs(seed: int = 0) -> dict:
    key = jax.random.key(seed)
    k1, k2, k3, k4 = jax.random.split(key, 4)
    node_feats = jax.random.normal(k1, (N_NODES, D_IN), dtype=jnp.float32)
    edge_index = jax.random.randint(k2, (2, N_EDGES), 0, N_NODES, dtype=jnp.int64)
    # message linear layer f: in_feats -> in_feats (applied per-edge to src features)
    W_msg = jax.random.normal(k3, (D_IN, D_IN), dtype=jnp.float32) * (1.0 / np.sqrt(D_IN))
    b_msg = jnp.zeros((D_IN,), dtype=jnp.float32)
    # final linear layer: in_feats -> out_feats applied after aggregation
    W_out = jax.random.normal(k4, (D_IN, D_OUT), dtype=jnp.float32) * (1.0 / np.sqrt(D_IN))
    b_out = jnp.zeros((D_OUT,), dtype=jnp.float32)
    return {"node_feats": node_feats, "edge_index": edge_index,
            "W_msg": W_msg, "b_msg": b_msg, "W_out": W_out, "b_out": b_out}

def reference(node_feats, edge_index, W_msg, b_msg, W_out, b_out):
    # message(edges): ReLU(f(h_src)) computed per edge
    src = edge_index[0]
    dst = edge_index[1]
    h_src = jnp.take(node_feats, src, axis=0)            # gather [E, D_IN]
    msg = jax.nn.relu(h_src @ W_msg + b_msg)             # per-edge message
    # reduce(nodes): sum of messages in each dst node's mailbox
    agg = jax.ops.segment_sum(msg, dst, num_segments=node_feats.shape[0])  # scatter-add [N, D_IN]
    # final transformation linear layer in_feats -> out_feats
    out = agg @ W_out + b_out                            # [N, D_OUT]
    return out

if __name__ == "__main__":
    import jax
    _d = setup_inputs()
    print(jax.jit(kernel)(*tuple(_d.values())))

</pallas_src>

<mosaic_0001>
#map = affine_map<(d0, d1) -> (0)>
#map1 = affine_map<(d0, d1) -> (0, 0)>
#map2 = affine_map<(d0, d1) -> (0, 0, 0)>
module attributes {stable_mosaic.version = 14 : i64} {
  func.func @_sc_edge_body(%arg0: i32, %arg1: i32, %arg2: memref<640000xi32, #tpu.memory_space<hbm>>, %arg3: memref<10000x128xbf16, #tpu.memory_space<hbm>>, %arg4: memref<2x10240x128xbf16, #tpu.memory_space<hbm>>, %arg5: memref<10000xi32, #tpu.memory_space<vmem>>, %arg6: memref<10000xi32, #tpu.memory_space<vmem>>, %arg7: memref<200x128xbf16, #tpu.memory_space<vmem>>, %arg8: memref<200x128xbf16, #tpu.memory_space<vmem>>, %arg9: memref<10240x128xbf16, #tpu.memory_space<vmem_shared>>, %arg10: memref<!tpu.dma_semaphore, #tpu.memory_space<semaphore_mem>>, %arg11: memref<!tpu.dma_semaphore, #tpu.memory_space<semaphore_mem>>) attributes {dimension_semantics = [#tpu.dimension_semantics<core_parallel>, #tpu.dimension_semantics<subcore_parallel>], iteration_bounds = array<i64: 2, 16>, scalar_prefetch = 0 : i64, scratch_operands = 7 : i64, tpu.core_type = #tpu.core_type<sc_vector_subcore>, window_params = [{transform_indices = #map}, {transform_indices = #map1}, {transform_indices = #map2}]} {
    %mul3A = arith.constant 640 : i32
    %mul3A_0 = arith.muli %arg1, %mul3A : i32
    %broadcast_in_dim3A = arith.constant 0.000000e+00 : bf16
    "tpu.trace_start"() <{level = 10 : i32, message = "init_zero_idx"}> : () -> ()
    %broadcast_in_dim3A_1 = vector.broadcast %broadcast_in_dim3A : bf16 to vector<32xbf16>
    %scan3A = arith.constant 0 : i32
    %scan3A_2 = arith.constant 200 : i32
    %scan3A_3 = arith.addi %scan3A, %scan3A_2 : i32
    %scan3A_4 = arith.constant 1 : i32
    scf.for %scan3A_35 = %scan3A to %scan3A_3 step %scan3A_4  : i32 {
      %mul3A_36 = arith.constant 1 : i32
      %mul3A_37 = arith.muli %scan3A_35, %mul3A_36 : i32
      %add3A_38 = arith.constant 0 : i32
      %add3A_39 = arith.addi %add3A_38, %mul3A_37 : i32
      %swap3A = arith.index_cast %add3A_39 : i32 to index
      %swap3A_40 = arith.constant 0 : index
      %swap3A_41 = tpu.vector_load %arg7[%swap3A, %swap3A_40] {strides = array<i32>} : memref<200x128xbf16, #tpu.memory_space<vmem>>, vector<1x32xbf16>,
      %swap3A_42 = vector.shape_cast %swap3A_41 : vector<1x32xbf16> to vector<32xbf16>
      %swap3A_43 = vector.shape_cast %broadcast_in_dim3A_1 : vector<32xbf16> to vector<1x32xbf16>
      tpu.vector_store %arg7[%swap3A, %swap3A_40], %swap3A_43 {strides = array<i32>} : memref<200x128xbf16, #tpu.memory_space<vmem>>, vector<1x32xbf16>,
      %swap3A_44 = arith.index_cast %add3A_39 : i32 to index
      %swap3A_45 = arith.constant 32 : index
      %swap3A_46 = tpu.vector_load %arg7[%swap3A_44, %swap3A_45] {strides = array<i32>} : memref<200x128xbf16, #tpu.memory_space<vmem>>, vector<1x32xbf16>,
      %swap3A_47 = vector.shape_cast %swap3A_46 : vector<1x32xbf16> to vector<32xbf16>
      %swap3A_48 = vector.shape_cast %broadcast_in_dim3A_1 : vector<32xbf16> to vector<1x32xbf16>
      tpu.vector_store %arg7[%swap3A_44, %swap3A_45], %swap3A_48 {strides = array<i32>} : memref<200x128xbf16, #tpu.memory_space<vmem>>, vector<1x32xbf16>,
      %swap3A_49 = arith.index_cast %add3A_39 : i32 to index
      %swap3A_50 = arith.constant 64 : index
      %swap3A_51 = tpu.vector_load %arg7[%swap3A_49, %swap3A_50] {strides = array<i32>} : memref<200x128xbf16, #tpu.memory_space<vmem>>, vector<1x32xbf16>,
      %swap3A_52 = vector.shape_cast %swap3A_51 : vector<1x32xbf16> to vector<32xbf16>
      %swap3A_53 = vector.shape_cast %broadcast_in_dim3A_1 : vector<32xbf16> to vector<1x32xbf16>
      tpu.vector_store %arg7[%swap3A_49, %swap3A_50], %swap3A_53 {strides = array<i32>} : memref<200x128xbf16, #tpu.memory_space<vmem>>, vector<1x32xbf16>,
      %swap3A_54 = arith.index_cast %add3A_39 : i32 to index
      %swap3A_55 = arith.constant 96 : index
      %swap3A_56 = tpu.vector_load %arg7[%swap3A_54, %swap3A_55] {strides = array<i32>} : memref<200x128xbf16, #tpu.memory_space<vmem>>, vector<1x32xbf16>,
      %swap3A_57 = vector.shape_cast %swap3A_56 : vector<1x32xbf16> to vector<32xbf16>
      %swap3A_58 = vector.shape_cast %broadcast_in_dim3A_1 : vector<32xbf16> to vector<1x32xbf16>
      tpu.vector_store %arg7[%swap3A_54, %swap3A_55], %swap3A_58 {strides = array<i32>} : memref<200x128xbf16, #tpu.memory_space<vmem>>, vector<1x32xbf16>,
    }
    %scan3A_5 = arith.constant 200 : i32
    %add3A = arith.constant 0 : i32
    %add3A_6 = arith.addi %mul3A_0, %add3A : i32
    "tpu.region"() ({
      %run_scoped3A = tpu.sem_alloc : memref<!tpu.dma_semaphore, #tpu.memory_space<semaphore_mem>>
      %dma_start3A_35 = arith.constant 0 : i32
      %dma_start3A_36 = arith.constant 0 : i32
      %dma_start3A_37 = tpu.memref_slice %arg7[%dma_start3A_35, %dma_start3A_36] : memref<200x128xbf16, #tpu.memory_space<vmem>> -> memref<200x128xbf16, #tpu.memory_space<vmem>>
      %dma_start3A_38 = arith.constant 0 : i32
      %dma_start3A_39 = tpu.memref_slice %arg9[%add3A_6, %dma_start3A_38] : memref<10240x128xbf16, #tpu.memory_space<vmem_shared>> -> memref<200x128xbf16, #tpu.memory_space<vmem_shared>>
      %dma_start3A_40 = arith.constant 0 : i32
      %dma_start3A_41 = tpu.memref_slice %arg9[%add3A_6, %dma_start3A_40] : memref<10240x128xbf16, #tpu.memory_space<vmem_shared>> -> memref<200x128xbf16, #tpu.memory_space<vmem_shared>>
      %dma_start3A_42 = arith.constant 0 : i32
      %dma_start3A_43 = arith.constant 0 : i32
      %dma_start3A_44 = tpu.memref_slice %arg7[%dma_start3A_42, %dma_start3A_43] : memref<200x128xbf16, #tpu.memory_space<vmem>> -> memref<200x128xbf16, #tpu.memory_space<vmem>>
      tpu.enqueue_dma source(%dma_start3A_44 : memref<200x128xbf16, #tpu.memory_space<vmem>>) target(%dma_start3A_41 : memref<200x128xbf16, #tpu.memory_space<vmem_shared>>) target_semaphore(%run_scoped3A : memref<!tpu.dma_semaphore, #tpu.memory_space<semaphore_mem>>)
      %dma_wait3A = arith.constant 0 : i32
      %dma_wait3A_45 = arith.constant 0 : i32
      %dma_wait3A_46 = tpu.memref_slice %arg7[%dma_wait3A, %dma_wait3A_45] : memref<200x128xbf16, #tpu.memory_space<vmem>> -> memref<200x128xbf16, #tpu.memory_space<vmem>>
      %dma_wait3A_47 = arith.constant 0 : i32
      %dma_wait3A_48 = tpu.memref_slice %arg9[%add3A_6, %dma_wait3A_47] : memref<10240x128xbf16, #tpu.memory_space<vmem_shared>> -> memref<200x128xbf16, #tpu.memory_space<vmem_shared>>
      %dma_wait3A_49 = arith.constant 0 : i32
      %dma_wait3A_50 = tpu.memref_slice %arg9[%add3A_6, %dma_wait3A_49] : memref<10240x128xbf16, #tpu.memory_space<vmem_shared>> -> memref<200x128xbf16, #tpu.memory_space<vmem_shared>>
      %dma_wait3A_51 = arith.constant 0 : i32
      %dma_wait3A_52 = arith.constant 0 : i32
      %dma_wait3A_53 = tpu.memref_slice %arg7[%dma_wait3A_51, %dma_wait3A_52] : memref<200x128xbf16, #tpu.memory_space<vmem>> -> memref<200x128xbf16, #tpu.memory_space<vmem>>
      tpu.wait_dma2 semaphore(%run_scoped3A : memref<!tpu.dma_semaphore, #tpu.memory_space<semaphore_mem>>) src(%dma_wait3A_53 : memref<200x128xbf16, #tpu.memory_space<vmem>>) dst(%dma_wait3A_50 : memref<200x128xbf16, #tpu.memory_space<vmem_shared>>)
      tpu.yield
    }) : () -> ()
    %add3A_7 = arith.constant 200 : i32
    %add3A_8 = arith.addi %mul3A_0, %add3A_7 : i32
    "tpu.region"() ({
      %run_scoped3A = tpu.sem_alloc : memref<!tpu.dma_semaphore, #tpu.memory_space<semaphore_mem>>
      %dma_start3A_35 = arith.constant 0 : i32
      %dma_start3A_36 = arith.constant 0 : i32
      %dma_start3A_37 = tpu.memref_slice %arg7[%dma_start3A_35, %dma_start3A_36] : memref<200x128xbf16, #tpu.memory_space<vmem>> -> memref<200x128xbf16, #tpu.memory_space<vmem>>
      %dma_start3A_38 = arith.constant 0 : i32
      %dma_start3A_39 = tpu.memref_slice %arg9[%add3A_8, %dma_start3A_38] : memref<10240x128xbf16, #tpu.memory_space<vmem_shared>> -> memref<200x128xbf16, #tpu.memory_space<vmem_shared>>
      %dma_start3A_40 = arith.constant 0 : i32
      %dma_start3A_41 = tpu.memref_slice %arg9[%add3A_8, %dma_start3A_40] : memref<10240x128xbf16, #tpu.memory_space<vmem_shared>> -> memref<200x128xbf16, #tpu.memory_space<vmem_shared>>
      %dma_start3A_42 = arith.constant 0 : i32
      %dma_start3A_43 = arith.constant 0 : i32
      %dma_start3A_44 = tpu.memref_slice %arg7[%dma_start3A_42, %dma_start3A_43] : memref<200x128xbf16, #tpu.memory_space<vmem>> -> memref<200x128xbf16, #tpu.memory_space<vmem>>
      tpu.enqueue_dma source(%dma_start3A_44 : memref<200x128xbf16, #tpu.memory_space<vmem>>) target(%dma_start3A_41 : memref<200x128xbf16, #tpu.memory_space<vmem_shared>>) target_semaphore(%run_scoped3A : memref<!tpu.dma_semaphore, #tpu.memory_space<semaphore_mem>>)
      %dma_wait3A = arith.constant 0 : i32
      %dma_wait3A_45 = arith.constant 0 : i32
      %dma_wait3A_46 = tpu.memref_slice %arg7[%dma_wait3A, %dma_wait3A_45] : memref<200x128xbf16, #tpu.memory_space<vmem>> -> memref<200x128xbf16, #tpu.memory_space<vmem>>
      %dma_wait3A_47 = arith.constant 0 : i32
      %dma_wait3A_48 = tpu.memref_slice %arg9[%add3A_8, %dma_wait3A_47] : memref<10240x128xbf16, #tpu.memory_space<vmem_shared>> -> memref<200x128xbf16, #tpu.memory_space<vmem_shared>>
      %dma_wait3A_49 = arith.constant 0 : i32
      %dma_wait3A_50 = tpu.memref_slice %arg9[%add3A_8, %dma_wait3A_49] : memref<10240x128xbf16, #tpu.memory_space<vmem_shared>> -> memref<200x128xbf16, #tpu.memory_space<vmem_shared>>
      %dma_wait3A_51 = arith.constant 0 : i32
      %dma_wait3A_52 = arith.constant 0 : i32
      %dma_wait3A_53 = tpu.memref_slice %arg7[%dma_wait3A_51, %dma_wait3A_52] : memref<200x128xbf16, #tpu.memory_space<vmem>> -> memref<200x128xbf16, #tpu.memory_space<vmem>>
      tpu.wait_dma2 semaphore(%run_scoped3A : memref<!tpu.dma_semaphore, #tpu.memory_space<semaphore_mem>>) src(%dma_wait3A_53 : memref<200x128xbf16, #tpu.memory_space<vmem>>) dst(%dma_wait3A_50 : memref<200x128xbf16, #tpu.memory_space<vmem_shared>>)
      tpu.yield
    }) : () -> ()
    %add3A_9 = arith.constant 400 : i32
    %add3A_10 = arith.addi %mul3A_0, %add3A_9 : i32
    "tpu.region"() ({
      %run_scoped3A = tpu.sem_alloc : memref<!tpu.dma_semaphore, #tpu.memory_space<semaphore_mem>>
      %dma_start3A_35 = arith.constant 0 : i32
      %dma_start3A_36 = arith.constant 0 : i32
      %dma_start3A_37 = tpu.memref_slice %arg7[%dma_start3A_35, %dma_start3A_36] : memref<200x128xbf16, #tpu.memory_space<vmem>> -> memref<200x128xbf16, #tpu.memory_space<vmem>>
      %dma_start3A_38 = arith.constant 0 : i32
      %dma_start3A_39 = tpu.memref_slice %arg9[%add3A_10, %dma_start3A_38] : memref<10240x128xbf16, #tpu.memory_space<vmem_shared>> -> memref<200x128xbf16, #tpu.memory_space<vmem_shared>>
      %dma_start3A_40 = arith.constant 0 : i32
      %dma_start3A_41 = tpu.memref_slice %arg9[%add3A_10, %dma_start3A_40] : memref<10240x128xbf16, #tpu.memory_space<vmem_shared>> -> memref<200x128xbf16, #tpu.memory_space<vmem_shared>>
      %dma_start3A_42 = arith.constant 0 : i32
      %dma_start3A_43 = arith.constant 0 : i32
      %dma_start3A_44 = tpu.memref_slice %arg7[%dma_start3A_42, %dma_start3A_43] : memref<200x128xbf16, #tpu.memory_space<vmem>> -> memref<200x128xbf16, #tpu.memory_space<vmem>>
      tpu.enqueue_dma source(%dma_start3A_44 : memref<200x128xbf16, #tpu.memory_space<vmem>>) target(%dma_start3A_41 : memref<200x128xbf16, #tpu.memory_space<vmem_shared>>) target_semaphore(%run_scoped3A : memref<!tpu.dma_semaphore, #tpu.memory_space<semaphore_mem>>)
      %dma_wait3A = arith.constant 0 : i32
      %dma_wait3A_45 = arith.constant 0 : i32
      %dma_wait3A_46 = tpu.memref_slice %arg7[%dma_wait3A, %dma_wait3A_45] : memref<200x128xbf16, #tpu.memory_space<vmem>> -> memref<200x128xbf16, #tpu.memory_space<vmem>>
      %dma_wait3A_47 = arith.constant 0 : i32
      %dma_wait3A_48 = tpu.memref_slice %arg9[%add3A_10, %dma_wait3A_47] : memref<10240x128xbf16, #tpu.memory_space<vmem_shared>> -> memref<200x128xbf16, #tpu.memory_space<vmem_shared>>
      %dma_wait3A_49 = arith.constant 0 : i32
      %dma_wait3A_50 = tpu.memref_slice %arg9[%add3A_10, %dma_wait3A_49] : memref<10240x128xbf16, #tpu.memory_space<vmem_shared>> -> memref<200x128xbf16, #tpu.memory_space<vmem_shared>>
      %dma_wait3A_51 = arith.constant 0 : i32
      %dma_wait3A_52 = arith.constant 0 : i32
      %dma_wait3A_53 = tpu.memref_slice %arg7[%dma_wait3A_51, %dma_wait3A_52] : memref<200x128xbf16, #tpu.memory_space<vmem>> -> memref<200x128xbf16, #tpu.memory_space<vmem>>
      tpu.wait_dma2 semaphore(%run_scoped3A : memref<!tpu.dma_semaphore, #tpu.memory_space<semaphore_mem>>) src(%dma_wait3A_53 : memref<200x128xbf16, #tpu.memory_space<vmem>>) dst(%dma_wait3A_50 : memref<200x128xbf16, #tpu.memory_space<vmem_shared>>)
      tpu.yield
    }) : () -> ()
    %add3A_11 = arith.constant 600 : i32
    %add3A_12 = arith.addi %mul3A_0, %add3A_11 : i32
    "tpu.region"() ({
      %run_scoped3A = tpu.sem_alloc : memref<!tpu.dma_semaphore, #tpu.memory_space<semaphore_mem>>
      %dma_start3A_35 = arith.constant 0 : i32
      %dma_start3A_36 = arith.constant 0 : i32
      %dma_start3A_37 = tpu.memref_slice %arg7[%dma_start3A_35, %dma_start3A_36] : memref<200x128xbf16, #tpu.memory_space<vmem>> -> memref<40x128xbf16, #tpu.memory_space<vmem>>
      %dma_start3A_38 = arith.constant 0 : i32
      %dma_start3A_39 = tpu.memref_slice %arg9[%add3A_12, %dma_start3A_38] : memref<10240x128xbf16, #tpu.memory_space<vmem_shared>> -> memref<40x128xbf16, #tpu.memory_space<vmem_shared>>
      %dma_start3A_40 = arith.constant 0 : i32
      %dma_start3A_41 = tpu.memref_slice %arg9[%add3A_12, %dma_start3A_40] : memref<10240x128xbf16, #tpu.memory_space<vmem_shared>> -> memref<40x128xbf16, #tpu.memory_space<vmem_shared>>
      %dma_start3A_42 = arith.constant 0 : i32
      %dma_start3A_43 = arith.constant 0 : i32
      %dma_start3A_44 = tpu.memref_slice %arg7[%dma_start3A_42, %dma_start3A_43] : memref<200x128xbf16, #tpu.memory_space<vmem>> -> memref<40x128xbf16, #tpu.memory_space<vmem>>
      tpu.enqueue_dma source(%dma_start3A_44 : memref<40x128xbf16, #tpu.memory_space<vmem>>) target(%dma_start3A_41 : memref<40x128xbf16, #tpu.memory_space<vmem_shared>>) target_semaphore(%run_scoped3A : memref<!tpu.dma_semaphore, #tpu.memory_space<semaphore_mem>>)
      %dma_wait3A = arith.constant 0 : i32
      %dma_wait3A_45 = arith.constant 0 : i32
      %dma_wait3A_46 = tpu.memref_slice %arg7[%dma_wait3A, %dma_wait3A_45] : memref<200x128xbf16, #tpu.memory_space<vmem>> -> memref<40x128xbf16, #tpu.memory_space<vmem>>
      %dma_wait3A_47 = arith.constant 0 : i32
      %dma_wait3A_48 = tpu.memref_slice %arg9[%add3A_12, %dma_wait3A_47] : memref<10240x128xbf16, #tpu.memory_space<vmem_shared>> -> memref<40x128xbf16, #tpu.memory_space<vmem_shared>>
      %dma_wait3A_49 = arith.constant 0 : i32
      %dma_wait3A_50 = tpu.memref_slice %arg9[%add3A_12, %dma_wait3A_49] : memref<10240x128xbf16, #tpu.memory_space<vmem_shared>> -> memref<40x128xbf16, #tpu.memory_space<vmem_shared>>
      %dma_wait3A_51 = arith.constant 0 : i32
      %dma_wait3A_52 = arith.constant 0 : i32
      %dma_wait3A_53 = tpu.memref_slice %arg7[%dma_wait3A_51, %dma_wait3A_52] : memref<200x128xbf16, #tpu.memory_space<vmem>> -> memref<40x128xbf16, #tpu.memory_space<vmem>>
      tpu.wait_dma2 semaphore(%run_scoped3A : memref<!tpu.dma_semaphore, #tpu.memory_space<semaphore_mem>>) src(%dma_wait3A_53 : memref<40x128xbf16, #tpu.memory_space<vmem>>) dst(%dma_wait3A_50 : memref<40x128xbf16, #tpu.memory_space<vmem_shared>>)
      tpu.yield
    }) : () -> ()
    %mul3A_13 = arith.constant 16 : i32
    %mul3A_14 = arith.muli %arg0, %mul3A_13 : i32
    %add3A_15 = arith.addi %mul3A_14, %arg1 : i32
    %mul3A_16 = arith.constant 10000 : i32
    %mul3A_17 = arith.muli %add3A_15, %mul3A_16 : i32
    "tpu.region"() ({
      %run_scoped3A = tpu.sem_alloc : memref<!tpu.dma_semaphore, #tpu.memory_space<semaphore_mem>>
      %dma_start3A_35 = tpu.memref_slice %arg2[%mul3A_17] : memref<640000xi32, #tpu.memory_space<hbm>> -> memref<10000xi32, #tpu.memory_space<hbm>>
      %dma_start3A_36 = tpu.memref_slice %arg2[%mul3A_17] : memref<640000xi32, #tpu.memory_space<hbm>> -> memref<10000xi32, #tpu.memory_space<hbm>>
      tpu.enqueue_dma source(%dma_start3A_36 : memref<10000xi32, #tpu.memory_space<hbm>>) target(%arg5 : memref<10000xi32, #tpu.memory_space<vmem>>) target_semaphore(%run_scoped3A : memref<!tpu.dma_semaphore, #tpu.memory_space<semaphore_mem>>)
      %dma_wait3A = tpu.memref_slice %arg2[%mul3A_17] : memref<640000xi32, #tpu.memory_space<hbm>> -> memref<10000xi32, #tpu.memory_space<hbm>>
      %dma_wait3A_37 = tpu.memref_slice %arg2[%mul3A_17] : memref<640000xi32, #tpu.memory_space<hbm>> -> memref<10000xi32, #tpu.memory_space<hbm>>
      tpu.wait_dma2 semaphore(%run_scoped3A : memref<!tpu.dma_semaphore, #tpu.memory_space<semaphore_mem>>) src(%dma_wait3A_37 : memref<10000xi32, #tpu.memory_space<hbm>>) dst(%arg5 : memref<10000xi32, #tpu.memory_space<vmem>>)
      tpu.yield
    }) : () -> ()
    %add3A_18 = arith.constant 320000 : i32
    %add3A_19 = arith.addi %add3A_18, %mul3A_17 : i32
    "tpu.region"() ({
      %run_scoped3A = tpu.sem_alloc : memref<!tpu.dma_semaphore, #tpu.memory_space<semaphore_mem>>
      %dma_start3A_35 = tpu.memref_slice %arg2[%add3A_19] : memref<640000xi32, #tpu.memory_space<hbm>> -> memref<10000xi32, #tpu.memory_space<hbm>>
      %dma_start3A_36 = tpu.memref_slice %arg2[%add3A_19] : memref<640000xi32, #tpu.memory_space<hbm>> -> memref<10000xi32, #tpu.memory_space<hbm>>
      tpu.enqueue_dma source(%dma_start3A_36 : memref<10000xi32, #tpu.memory_space<hbm>>) target(%arg6 : memref<10000xi32, #tpu.memory_space<vmem>>) target_semaphore(%run_scoped3A : memref<!tpu.dma_semaphore, #tpu.memory_space<semaphore_mem>>)
      %dma_wait3A = tpu.memref_slice %arg2[%add3A_19] : memref<640000xi32, #tpu.memory_space<hbm>> -> memref<10000xi32, #tpu.memory_space<hbm>>
      %dma_wait3A_37 = tpu.memref_slice %arg2[%add3A_19] : memref<640000xi32, #tpu.memory_space<hbm>> -> memref<10000xi32, #tpu.memory_space<hbm>>
      tpu.wait_dma2 semaphore(%run_scoped3A : memref<!tpu.dma_semaphore, #tpu.memory_space<semaphore_mem>>) src(%dma_wait3A_37 : memref<10000xi32, #tpu.memory_space<hbm>>) dst(%arg6 : memref<10000xi32, #tpu.memory_space<vmem>>)
      tpu.yield
    }) : () -> ()
    %barrier3A = arith.constant 0 : index
    tpu.barrier barrier_id(%barrier3A)
    "tpu.trace_stop"() : () -> ()
    "tpu.trace_start"() <{level = 10 : i32, message = "edge_loop"}> : () -> ()
    %dma_start3A = arith.constant 0 : i32
    %dma_start3A_20 = tpu.memref_slice %arg5[%dma_start3A] : memref<10000xi32, #tpu.memory_space<vmem>> -> memref<200xi32, #tpu.memory_space<vmem>>
    %dma_start3A_21 = arith.constant 0 : i32
    %dma_start3A_22 = arith.constant 0 : i32
    %dma_start3A_23 = tpu.memref_slice %arg3[%dma_start3A_21, %dma_start3A_22] : memref<10000x128xbf16, #tpu.memory_space<hbm>> -> memref<10000x128xbf16, #tpu.memory_space<hbm>>
    tpu.enqueue_indirect_dma source(%dma_start3A_23 : memref<10000x128xbf16, #tpu.memory_space<hbm>>) target(%arg7 : memref<200x128xbf16, #tpu.memory_space<vmem>>) offsets(%dma_start3A_20 : memref<200xi32, #tpu.memory_space<vmem>>) semaphore(%arg10 : memref<!tpu.dma_semaphore, #tpu.memory_space<semaphore_mem>>)
    %dma_start3A_24 = arith.constant 200 : i32
    %dma_start3A_25 = tpu.memref_slice %arg5[%dma_start3A_24] : memref<10000xi32, #tpu.memory_space<vmem>> -> memref<200xi32, #tpu.memory_space<vmem>>
    %dma_start3A_26 = arith.constant 0 : i32
    %dma_start3A_27 = arith.constant 0 : i32
    %dma_start3A_28 = tpu.memref_slice %arg3[%dma_start3A_26, %dma_start3A_27] : memref<10000x128xbf16, #tpu.memory_space<hbm>> -> memref<10000x128xbf16, #tpu.memory_space<hbm>>
    tpu.enqueue_indirect_dma source(%dma_start3A_28 : memref<10000x128xbf16, #tpu.memory_space<hbm>>) target(%arg8 : memref<200x128xbf16, #tpu.memory_space<vmem>>) offsets(%dma_start3A_25 : memref<200xi32, #tpu.memory_space<vmem>>) semaphore(%arg11 : memref<!tpu.dma_semaphore, #tpu.memory_space<semaphore_mem>>)
    %scan3A_29 = arith.constant 0 : i32
    %scan3A_30 = arith.constant 25 : i32
    %scan3A_31 = arith.addi %scan3A_29, %scan3A_30 : i32
    %scan3A_32 = arith.constant 1 : i32
    scf.for %scan3A_35 = %scan3A_29 to %scan3A_31 step %scan3A_32  : i32 {
      %mul3A_36 = arith.constant 2 : i32
      %mul3A_37 = arith.muli %scan3A_35, %mul3A_36 : i32
      %add3A_38 = arith.constant 0 : i32
      %add3A_39 = arith.addi %add3A_38, %mul3A_37 : i32
      %add3A_40 = arith.constant 0 : i32
      %add3A_41 = arith.addi %add3A_39, %add3A_40 : i32
      %mul3A_42 = arith.constant 200 : i32
      %mul3A_43 = arith.muli %add3A_41, %mul3A_42 : i32
      %dma_wait3A = tpu.memref_slice %arg5[%mul3A_43] : memref<10000xi32, #tpu.memory_space<vmem>> -> memref<200xi32, #tpu.memory_space<vmem>>
      %dma_wait3A_44 = arith.constant 0 : i32
      %dma_wait3A_45 = arith.constant 0 : i32
      %dma_wait3A_46 = tpu.memref_slice %arg3[%dma_wait3A_44, %dma_wait3A_45] : memref<10000x128xbf16, #tpu.memory_space<hbm>> -> memref<10000x128xbf16, #tpu.memory_space<hbm>>
      tpu.wait_indirect_dma semaphore(%arg10 : memref<!tpu.dma_semaphore, #tpu.memory_space<semaphore_mem>>) src(%dma_wait3A_46 : memref<10000x128xbf16, #tpu.memory_space<hbm>>) dst(%arg7 : memref<200x128xbf16, #tpu.memory_space<vmem>>)
      %mul3A_47 = arith.constant 200 : i32
      %mul3A_48 = arith.muli %add3A_41, %mul3A_47 : i32
      "tpu.region"() ({
        %run_scoped3A = tpu.sem_alloc : memref<!tpu.dma_semaphore, #tpu.memory_space<semaphore_mem>>
        %dma_start3A_70 = tpu.memref_slice %arg6[%mul3A_48] : memref<10000xi32, #tpu.memory_space<vmem>> -> memref<200xi32, #tpu.memory_space<vmem>>
        %dma_start3A_71 = arith.constant 0 : i32
        %dma_start3A_72 = arith.constant 0 : i32
        %dma_start3A_73 = tpu.memref_slice %arg9[%dma_start3A_71, %dma_start3A_72] : memref<10240x128xbf16, #tpu.memory_space<vmem_shared>> -> memref<10240x128xbf16, #tpu.memory_space<vmem_shared>>
        tpu.enqueue_indirect_dma source(%arg7 : memref<200x128xbf16, #tpu.memory_space<vmem>>) target(%dma_start3A_73 : memref<10240x128xbf16, #tpu.memory_space<vmem_shared>>) offsets(%dma_start3A_70 : memref<200xi32, #tpu.memory_space<vmem>>) semaphore(%run_scoped3A : memref<!tpu.dma_semaphore, #tpu.memory_space<semaphore_mem>>) {add = true}
        %dma_wait3A_74 = tpu.memref_slice %arg6[%mul3A_48] : memref<10000xi32, #tpu.memory_space<vmem>> -> memref<200xi32, #tpu.memory_space<vmem>>
        %dma_wait3A_75 = arith.constant 0 : i32
        %dma_wait3A_76 = arith.constant 0 : i32
        %dma_wait3A_77 = tpu.memref_slice %arg9[%dma_wait3A_75, %dma_wait3A_76] : memref<10240x128xbf16, #tpu.memory_space<vmem_shared>> -> memref<10240x128xbf16, #tpu.memory_space<vmem_shared>>
        tpu.wait_indirect_dma semaphore(%run_scoped3A : memref<!tpu.dma_semaphore, #tpu.memory_space<semaphore_mem>>) src(%arg7 : memref<200x128xbf16, #tpu.memory_space<vmem>>) dst(%dma_wait3A_77 : memref<10240x128xbf16, #tpu.memory_space<vmem_shared>>)
        tpu.yield
      }) : () -> ()
      %add3A_49 = arith.constant 2 : i32
      %add3A_50 = arith.addi %add3A_41, %add3A_49 : i32
      %lt3A = arith.constant 50 : i32
      %lt3A_51 = arith.cmpi slt, %add3A_50, %lt3A : i32
      %convert_element_type3A = arith.extui %lt3A_51 : i1 to i32
      %cond3A = arith.constant 0 : i32
      %cond3A_52 = arith.cmpi ne, %convert_element_type3A, %cond3A : i32
      scf.if %cond3A_52 {
        %mul3A_70 = arith.constant 200 : i32
        %mul3A_71 = arith.muli %add3A_50, %mul3A_70 : i32
        %dma_start3A_72 = tpu.memref_slice %arg5[%mul3A_71] : memref<10000xi32, #tpu.memory_space<vmem>> -> memref<200xi32, #tpu.memory_space<vmem>>
        %dma_start3A_73 = arith.constant 0 : i32
        %dma_start3A_74 = arith.constant 0 : i32
        %dma_start3A_75 = tpu.memref_slice %arg3[%dma_start3A_73, %dma_start3A_74] : memref<10000x128xbf16, #tpu.memory_space<hbm>> -> memref<10000x128xbf16, #tpu.memory_space<hbm>>
        tpu.enqueue_indirect_dma source(%dma_start3A_75 : memref<10000x128xbf16, #tpu.memory_space<hbm>>) target(%arg7 : memref<200x128xbf16, #tpu.memory_space<vmem>>) offsets(%dma_start3A_72 : memref<200xi32, #tpu.memory_space<vmem>>) semaphore(%arg10 : memref<!tpu.dma_semaphore, #tpu.memory_space<semaphore_mem>>)
      } else {
      }
      %add3A_53 = arith.constant 1 : i32
      %add3A_54 = arith.addi %add3A_39, %add3A_53 : i32
      %mul3A_55 = arith.constant 200 : i32
      %mul3A_56 = arith.muli %add3A_54, %mul3A_55 : i32
      %dma_wait3A_57 = tpu.memref_slice %arg5[%mul3A_56] : memref<10000xi32, #tpu.memory_space<vmem>> -> memref<200xi32, #tpu.memory_space<vmem>>
      %dma_wait3A_58 = arith.constant 0 : i32
      %dma_wait3A_59 = arith.constant 0 : i32
      %dma_wait3A_60 = tpu.memref_slice %arg3[%dma_wait3A_58, %dma_wait3A_59] : memref<10000x128xbf16, #tpu.memory_space<hbm>> -> memref<10000x128xbf16, #tpu.memory_space<hbm>>
      tpu.wait_indirect_dma semaphore(%arg11 : memref<!tpu.dma_semaphore, #tpu.memory_space<semaphore_mem>>) src(%dma_wait3A_60 : memref<10000x128xbf16, #tpu.memory_space<hbm>>) dst(%arg8 : memref<200x128xbf16, #tpu.memory_space<vmem>>)
      %mul3A_61 = arith.constant 200 : i32
      %mul3A_62 = arith.muli %add3A_54, %mul3A_61 : i32
      "tpu.region"() ({
        %run_scoped3A = tpu.sem_alloc : memref<!tpu.dma_semaphore, #tpu.memory_space<semaphore_mem>>
        %dma_start3A_70 = tpu.memref_slice %arg6[%mul3A_62] : memref<10000xi32, #tpu.memory_space<vmem>> -> memref<200xi32, #tpu.memory_space<vmem>>
        %dma_start3A_71 = arith.constant 0 : i32
        %dma_start3A_72 = arith.constant 0 : i32
        %dma_start3A_73 = tpu.memref_slice %arg9[%dma_start3A_71, %dma_start3A_72] : memref<10240x128xbf16, #tpu.memory_space<vmem_shared>> -> memref<10240x128xbf16, #tpu.memory_space<vmem_shared>>
        tpu.enqueue_indirect_dma source(%arg8 : memref<200x128xbf16, #tpu.memory_space<vmem>>) target(%dma_start3A_73 : memref<10240x128xbf16, #tpu.memory_space<vmem_shared>>) offsets(%dma_start3A_70 : memref<200xi32, #tpu.memory_space<vmem>>) semaphore(%run_scoped3A : memref<!tpu.dma_semaphore, #tpu.memory_space<semaphore_mem>>) {add = true}
        %dma_wait3A_74 = tpu.memref_slice %arg6[%mul3A_62] : memref<10000xi32, #tpu.memory_space<vmem>> -> memref<200xi32, #tpu.memory_space<vmem>>
        %dma_wait3A_75 = arith.constant 0 : i32
        %dma_wait3A_76 = arith.constant 0 : i32
        %dma_wait3A_77 = tpu.memref_slice %arg9[%dma_wait3A_75, %dma_wait3A_76] : memref<10240x128xbf16, #tpu.memory_space<vmem_shared>> -> memref<10240x128xbf16, #tpu.memory_space<vmem_shared>>
        tpu.wait_indirect_dma semaphore(%run_scoped3A : memref<!tpu.dma_semaphore, #tpu.memory_space<semaphore_mem>>) src(%arg8 : memref<200x128xbf16, #tpu.memory_space<vmem>>) dst(%dma_wait3A_77 : memref<10240x128xbf16, #tpu.memory_space<vmem_shared>>)
        tpu.yield
      }) : () -> ()
      %add3A_63 = arith.constant 2 : i32
      %add3A_64 = arith.addi %add3A_54, %add3A_63 : i32
      %lt3A_65 = arith.constant 50 : i32
      %lt3A_66 = arith.cmpi slt, %add3A_64, %lt3A_65 : i32
      %convert_element_type3A_67 = arith.extui %lt3A_66 : i1 to i32
      %cond3A_68 = arith.constant 0 : i32
      %cond3A_69 = arith.cmpi ne, %convert_element_type3A_67, %cond3A_68 : i32
      scf.if %cond3A_69 {
        %mul3A_70 = arith.constant 200 : i32
        %mul3A_71 = arith.muli %add3A_64, %mul3A_70 : i32
        %dma_start3A_72 = tpu.memref_slice %arg5[%mul3A_71] : memref<10000xi32, #tpu.memory_space<vmem>> -> memref<200xi32, #tpu.memory_space<vmem>>
        %dma_start3A_73 = arith.constant 0 : i32
        %dma_start3A_74 = arith.constant 0 : i32
        %dma_start3A_75 = tpu.memref_slice %arg3[%dma_start3A_73, %dma_start3A_74] : memref<10000x128xbf16, #tpu.memory_space<hbm>> -> memref<10000x128xbf16, #tpu.memory_space<hbm>>
        tpu.enqueue_indirect_dma source(%dma_start3A_75 : memref<10000x128xbf16, #tpu.memory_space<hbm>>) target(%arg8 : memref<200x128xbf16, #tpu.memory_space<vmem>>) offsets(%dma_start3A_72 : memref<200xi32, #tpu.memory_space<vmem>>) semaphore(%arg11 : memref<!tpu.dma_semaphore, #tpu.memory_space<semaphore_mem>>)
      } else {
      }
    }
    %scan3A_33 = arith.constant 25 : i32
    "tpu.trace_stop"() : () -> ()
    "tpu.trace_start"() <{level = 10 : i32, message = "dump"}> : () -> ()
    %barrier3A_34 = arith.constant 0 : index
    tpu.barrier barrier_id(%barrier3A_34)
    "tpu.region"() ({
      %run_scoped3A = tpu.sem_alloc : memref<!tpu.dma_semaphore, #tpu.memory_space<semaphore_mem>>
      %dma_start3A_35 = arith.constant 0 : i32
      %dma_start3A_36 = tpu.memref_slice %arg4[%arg0, %mul3A_0, %dma_start3A_35] : memref<2x10240x128xbf16, #tpu.memory_space<hbm>> -> memref<1x640x128xbf16, #tpu.memory_space<hbm>>
      %dma_start3A_37 = tpu.memref_squeeze %dma_start3A_36 : memref<1x640x128xbf16, #tpu.memory_space<hbm>> -> memref<640x128xbf16, #tpu.memory_space<hbm>>
      %dma_start3A_38 = arith.constant 0 : i32
      %dma_start3A_39 = tpu.memref_slice %arg9[%mul3A_0, %dma_start3A_38] : memref<10240x128xbf16, #tpu.memory_space<vmem_shared>> -> memref<640x128xbf16, #tpu.memory_space<vmem_shared>>
      tpu.enqueue_dma source(%dma_start3A_39 : memref<640x128xbf16, #tpu.memory_space<vmem_shared>>) target(%dma_start3A_37 : memref<640x128xbf16, #tpu.memory_space<hbm>>) target_semaphore(%run_scoped3A : memref<!tpu.dma_semaphore, #tpu.memory_space<semaphore_mem>>)
      %dma_wait3A = arith.constant 0 : i32
      %dma_wait3A_40 = tpu.memref_slice %arg4[%arg0, %mul3A_0, %dma_wait3A] : memref<2x10240x128xbf16, #tpu.memory_space<hbm>> -> memref<1x640x128xbf16, #tpu.memory_space<hbm>>
      %dma_wait3A_41 = tpu.memref_squeeze %dma_wait3A_40 : memref<1x640x128xbf16, #tpu.memory_space<hbm>> -> memref<640x128xbf16, #tpu.memory_space<hbm>>
      %dma_wait3A_42 = arith.constant 0 : i32
      %dma_wait3A_43 = tpu.memref_slice %arg9[%mul3A_0, %dma_wait3A_42] : memref<10240x128xbf16, #tpu.memory_space<vmem_shared>> -> memref<640x128xbf16, #tpu.memory_space<vmem_shared>>
      tpu.wait_dma2 semaphore(%run_scoped3A : memref<!tpu.dma_semaphore, #tpu.memory_space<semaphore_mem>>) src(%dma_wait3A_43 : memref<640x128xbf16, #tpu.memory_space<vmem_shared>>) dst(%dma_wait3A_41 : memref<640x128xbf16, #tpu.memory_space<hbm>>)
      tpu.yield
    }) : () -> ()
    "tpu.trace_stop"() : () -> ()
    return
  }
}

module attributes {stable_mosaic.version = 14 : i64} {
  func.func @_mm_relu_body(%arg0: i32, %arg1: memref<2000x128xf32, #tpu.memory_space<vmem>>, %arg2: memref<128x128xf32, #tpu.memory_space<vmem>>, %arg3: memref<1x128xf32, #tpu.memory_space<vmem>>, %arg4: memref<2000x128xbf16, #tpu.memory_space<vmem>>) attributes {dimension_semantics = [#tpu.dimension_semantics<arbitrary>], iteration_bounds = array<i64: 5>, scalar_prefetch = 0 : i64, scratch_operands = 0 : i64, tpu.core_type = #tpu.core_type<tc>, window_params = [{transform_indices = @transform_0, window_bounds = array<i64: 2000, 128>}, {pipeline_mode = #tpu.pipeline_mode<synchronous>, transform_indices = @transform_1, window_bounds = array<i64: 128, 128>}, {pipeline_mode = #tpu.pipeline_mode<synchronous>, transform_indices = @transform_2, window_bounds = array<i64: 1, 128>}, {transform_indices = @transform_3, window_bounds = array<i64: 2000, 128>}]} {
    %get3A = arith.constant 0 : index
    %get3A_0 = arith.constant 0 : index
    %get3A_1 = vector.load %arg1[%get3A, %get3A_0] : memref<2000x128xf32, #tpu.memory_space<vmem>>, vector<2000x128xf32>
    %get3A_2 = arith.constant 0 : index
    %get3A_3 = arith.constant 0 : index
    %get3A_4 = vector.load %arg2[%get3A_2, %get3A_3] : memref<128x128xf32, #tpu.memory_space<vmem>>, vector<128x128xf32>
    %dot_general3A = arith.constant dense<0.000000e+00> : vector<2000x128xf32>
    %dot_general3A_5 = tpu.matmul %get3A_1, %get3A_4, %dot_general3A {dimension_numbers = #tpu.dot_dimension_numbers<[1], [0], [0], [1], [0, 0, 1, 1], [], []>, transpose_lhs_hint = false} : vector<2000x128xf32>, vector<128x128xf32>, vector<2000x128xf32> -> vector<2000x128xf32>
    %get3A_6 = arith.constant 0 : index
    %get3A_7 = arith.constant 0 : index
    %get3A_8 = vector.load %arg3[%get3A_6, %get3A_7] : memref<1x128xf32, #tpu.memory_space<vmem>>, vector<1x128xf32>
    %add3A = vector.broadcast %get3A_8 : vector<1x128xf32> to vector<2000x128xf32>
    %add3A_9 = arith.addf %dot_general3A_5, %add3A : vector<2000x128xf32>
    %max3A = arith.constant 0.000000e+00 : f32
    %max3A_10 = vector.broadcast %max3A : f32 to vector<2000x128xf32>
    %max3A_11 = arith.maximumf %add3A_9, %max3A_10 : vector<2000x128xf32>
    %convert_element_type3A = arith.truncf %max3A_11 : vector<2000x128xf32> to vector<2000x128xbf16>
    %swap3A = arith.constant 0 : index
    %swap3A_12 = arith.constant 0 : index
    %swap3A_13 = vector.load %arg4[%swap3A, %swap3A_12] : memref<2000x128xbf16, #tpu.memory_space<vmem>>, vector<2000x128xbf16>
    tpu.vector_store %arg4[%swap3A, %swap3A_12], %convert_element_type3A {strides = array<i32>} : memref<2000x128xbf16, #tpu.memory_space<vmem>>, vector<2000x128xbf16>,
    return
  }
  func.func @transform_0(%arg0: i32) -> (i32, i32) {
    %c0_i32 = arith.constant 0 : i32
    %c0_i32_0 = arith.constant 0 : i32
    return %arg0, %c0_i32 : i32, i32
  }
  func.func @transform_1(%arg0: i32) -> (i32, i32) {
    %c0_i32 = arith.constant 0 : i32
    %c0_i32_0 = arith.constant 0 : i32
    %c0_i32_1 = arith.constant 0 : i32
    return %c0_i32, %c0_i32_0 : i32, i32
  }
  func.func @transform_2(%arg0: i32) -> (i32, i32) {
    %c0_i32 = arith.constant 0 : i32
    %c0_i32_0 = arith.constant 0 : i32
    %c0_i32_1 = arith.constant 0 : i32
    return %c0_i32, %c0_i32_0 : i32, i32
  }
  func.func @transform_3(%arg0: i32) -> (i32, i32) {
    %c0_i32 = arith.constant 0 : i32
    %c0_i32_0 = arith.constant 0 : i32
    return %arg0, %c0_i32 : i32, i32
  }
}

module attributes {stable_mosaic.version = 14 : i64} {
  func.func @_final_mm_body(%arg0: i32, %arg1: memref<2x2000x128xbf16, #tpu.memory_space<vmem>>, %arg2: memref<128x128xf32, #tpu.memory_space<vmem>>, %arg3: memref<1x128xf32, #tpu.memory_space<vmem>>, %arg4: memref<2000x128xf32, #tpu.memory_space<vmem>>) attributes {dimension_semantics = [#tpu.dimension_semantics<arbitrary>], iteration_bounds = array<i64: 5>, scalar_prefetch = 0 : i64, scratch_operands = 0 : i64, tpu.core_type = #tpu.core_type<tc>, window_params = [{transform_indices = @transform_0, window_bounds = array<i64: 2, 2000, 128>}, {pipeline_mode = #tpu.pipeline_mode<synchronous>, transform_indices = @transform_1, window_bounds = array<i64: 128, 128>}, {pipeline_mode = #tpu.pipeline_mode<synchronous>, transform_indices = @transform_2, window_bounds = array<i64: 1, 128>}, {transform_indices = @transform_3, window_bounds = array<i64: 2000, 128>}]} {
    %get3A = arith.constant 0 : index
    %get3A_0 = arith.constant 0 : index
    %get3A_1 = arith.constant 0 : index
    %get3A_2 = vector.load %arg1[%get3A, %get3A_0, %get3A_1] : memref<2x2000x128xbf16, #tpu.memory_space<vmem>>, vector<1x2000x128xbf16>
    %get3A_3 = vector.shape_cast %get3A_2 : vector<1x2000x128xbf16> to vector<2000x128xbf16>
    %convert_element_type3A = arith.extf %get3A_3 : vector<2000x128xbf16> to vector<2000x128xf32>
    %get3A_4 = arith.constant 1 : index
    %get3A_5 = arith.constant 0 : index
    %get3A_6 = arith.constant 0 : index
    %get3A_7 = vector.load %arg1[%get3A_4, %get3A_5, %get3A_6] : memref<2x2000x128xbf16, #tpu.memory_space<vmem>>, vector<1x2000x128xbf16>
    %get3A_8 = vector.shape_cast %get3A_7 : vector<1x2000x128xbf16> to vector<2000x128xbf16>
    %convert_element_type3A_9 = arith.extf %get3A_8 : vector<2000x128xbf16> to vector<2000x128xf32>
    %add3A = arith.addf %convert_element_type3A, %convert_element_type3A_9 : vector<2000x128xf32>
    %get3A_10 = arith.constant 0 : index
    %get3A_11 = arith.constant 0 : index
    %get3A_12 = vector.load %arg2[%get3A_10, %get3A_11] : memref<128x128xf32, #tpu.memory_space<vmem>>, vector<128x128xf32>
    %dot_general3A = arith.constant dense<0.000000e+00> : vector<2000x128xf32>
    %dot_general3A_13 = tpu.matmul %add3A, %get3A_12, %dot_general3A {dimension_numbers = #tpu.dot_dimension_numbers<[1], [0], [0], [1], [0, 0, 1, 1], [], []>, transpose_lhs_hint = false} : vector<2000x128xf32>, vector<128x128xf32>, vector<2000x128xf32> -> vector<2000x128xf32>
    %get3A_14 = arith.constant 0 : index
    %get3A_15 = arith.constant 0 : index
    %get3A_16 = vector.load %arg3[%get3A_14, %get3A_15] : memref<1x128xf32, #tpu.memory_space<vmem>>, vector<1x128xf32>
    %add3A_17 = vector.broadcast %get3A_16 : vector<1x128xf32> to vector<2000x128xf32>
    %add3A_18 = arith.addf %dot_general3A_13, %add3A_17 : vector<2000x128xf32>
    %swap3A = arith.constant 0 : index
    %swap3A_19 = arith.constant 0 : index
    %swap3A_20 = vector.load %arg4[%swap3A, %swap3A_19] : memref<2000x128xf32, #tpu.memory_space<vmem>>, vector<2000x128xf32>
    tpu.vector_store %arg4[%swap3A, %swap3A_19], %add3A_18 {strides = array<i32>} : memref<2000x128xf32, #tpu.memory_space<vmem>>, vector<2000x128xf32>,
    return
  }
  func.func @transform_0(%arg0: i32) -> (i32, i32, i32) {
    %c0_i32 = arith.constant 0 : i32
    %c0_i32_0 = arith.constant 0 : i32
    %c0_i32_1 = arith.constant 0 : i32
    return %c0_i32, %arg0, %c0_i32_0 : i32, i32, i32
  }
  func.func @transform_1(%arg0: i32) -> (i32, i32) {
    %c0_i32 = arith.constant 0 : i32
    %c0_i32_0 = arith.constant 0 : i32
    %c0_i32_1 = arith.constant 0 : i32
    return %c0_i32, %c0_i32_0 : i32, i32
  }
  func.func @transform_2(%arg0: i32) -> (i32, i32) {
    %c0_i32 = arith.constant 0 : i32
    %c0_i32_0 = arith.constant 0 : i32
    %c0_i32_1 = arith.constant 0 : i32
    return %c0_i32, %c0_i32_0 : i32, i32
  }
  func.func @transform_3(%arg0: i32) -> (i32, i32) {
    %c0_i32 = arith.constant 0 : i32
    %c0_i32_0 = arith.constant 0 : i32
    return %arg0, %c0_i32 : i32, i32
  }
}

</mosaic_0001>

<sc_bundles>
// kernel: kernel.5.cloned.1.call-start
scs
__scs_entry_jumppad:
0x0: {  	(pc) =	sbr.rel $0x88, $3  }
0x1: {  	(tag) =	ssettag $0x0;
	lr =	simm.s32 $0x1  }
0x2: {  	[smem:$0x3F9B] =	sst lr;
	_ =	strace $0xD0000000  }
0x3: {  	_ = 	snop  }
0x4: {  	_ = 	snop  }
0x5: {  	_ = 	snop  }
0x6: {  	_ = 	snop  }
0x7: {  	_ = 	snop  }
__scs_overlays_trampoline_lowered:
0x8: {  	[smem:$0x3FAA] =	sst s0  }
0x9: {  	[smem:$0x3FAB] =	sst s1  }
0xa: {  	[smem:$0x3FAC] =	sst s2  }
0xb: {  	[smem:$0x3FAD] =	sst s3  }
0xc: {  	[smem:$0x3FAE] =	sst s4  }
0xd: {  	[smem:$0x3FAF] =	sst s5  }
0xe: {  	[smem:$0x3FB0] =	sst s6  }
0xf: {  	[smem:$0x3FB1] =	sst s7  }
0x10: {  	[smem:$0x3FB2] =	sst s8  }
0x11: {  	[smem:$0x3FB3] =	sst s9;
	s0 =	simm.s32 @!p0 $0x0  }
0x12: {  	s1 =	sld [smem:$0x3F99];
	s0 =	simm.s32 @p0 $0x1  }
0x13: {  	[smem:$0x3FB4] =	sst s0;
	s0 =	simm.s32 @!p1 $0x0  }
0x14: {  	s2 =	sld [smem:$0x3F98];
	s0 =	simm.s32 @p1 $0x1  }
0x15: {  	[smem:$0x3FB5] =	sst s0;
	s0 =	simm.s32 @!p2 $0x0  }
0x16: {  	s3 =	sld [smem:$0x3FDB];
	s0 =	simm.s32 @p2 $0x1  }
0x17: {  	s4 =	simm.s32 $0x1BF5;
	[smem:$0x3FB7] =	sst s0  }
0x18: {  	s0 =	sld [smem:$0x3F9A];
	_ =	swait.ge [sflag:s4], $0x0  }
0x19: {  	s7 =	sld [smem:$0x3F9B]  }
0x1a: {  	s8 =	sadd.s32 $0xFFFFE003, lr  }
0x1b: {  	s9 =	sadd.s32 $0xFFFFFEF7, lr;
	s5 =	simm.s32 $0xFFFFFFFF;
	p2 =	slt.u32 s8, $0xFFFFF086  }
0x1c: {  	p1 =	slt.u32 s9, $0xF7A;
	s5 =	simm.s32 @!p2 $0x0  }
0x1d: {  	s5 =	simm.s32 @p1 $0x1;
	p0 =	seq.s32 s7, s2  }
0x1e: {  	s7 =	smul.u32 @!p0 $0xF7A, s2;
	p2 =	seq.s32 @!p0 s5, $0x0  }
0x1f: {  	s9 =	smul.u32 $0xF7A, s1;
	s8 =	simm.s32 @!p0 $0x1BF5;
	p2 =	por !p2, p0  }
0x20: {  	[sflag:s8] =	ssyncset.s32 @!p0 $0xFFFFF086;
	s6 =	sadd.s32 @!p0 s3, s7;
	s7 =	simm.s32 @!p0 $0x108  }
0x21: {  	s3 =	sadd.s32 s3, s9;
	s6 =	sadd.s32 @!p0 $0x88, s6;
	s7 =	simm.s32 @p2 $0x1082  }
0x22: {  	[simem:s7], [sflag:s8] =	dma.local @!p0 [hbm:s6], $0xF7A  }
0x23: {  	s9 =	sor.u32 $0xD0000000, s2;
	s6 =	simm.s32 $0x108;
	_ =	swait.ge @!p0 [sflag:s8], $0x0  }
0x24: {  	s3 =	sadd.s32 $0x88, s3;
	s6 =	simm.s32 @!p1 $0x1082;
	[sflag:s4] =	ssyncset.s32 $0xFFFFF086  }
0x25: {  	[simem:s6], [sflag:s4] =	dma.local [hbm:s3], $0xF7A  }
0x26: {  	[smem:$0x3F9B] =	sst s1;
	(tag) =	ssettag s2;
	_ =	strace s9  }
0x27: {  	s1 =	sld [smem:$0x3FAB]  }
0x28: {  	s2 =	sld [smem:$0x3FAC]  }
0x29: {  	s4 =	sld [smem:$0x3FAE]  }
0x2a: {  	p0 =	seq.s32 s5, $0x0;
	s5 =	sld [smem:$0x3FAF]  }
0x2b: {  	s6 =	sld [smem:$0x3FB0]  }
0x2c: {  	s7 =	sld [smem:$0x3FB1]  }
0x2d: {  	s3 =	simm.s32 $0x108;
	s8 =	sld [smem:$0x3FB2]  }
0x2e: {  	s3 =	simm.s32 @!p0 $0x1082;
	s9 =	sld [smem:$0x3FB3]  }
0x2f: {  	lr =	sadd.s32 s0, s3;
	s0 =	sld [smem:$0x3FAA]  }
0x30: {  	s3 =	sld [smem:$0x3FAD]  }
0x31: {  	[smem:$0x3FB6] =	sst s10  }
0x32: {  	s10 =	sld [smem:$0x3FB4];
	_ =	sdelay $0x3  }
0x33: {  	p0 =	seq.s32 s10, $0x1;
	s10 =	sld [smem:$0x3FB6];
	_ =	sdelay $0x3  }
0x34: {  	[smem:$0x3FB6] =	sst s10  }
0x35: {  	s10 =	sld [smem:$0x3FB5];
	_ =	sdelay $0x3  }
0x36: {  	p1 =	seq.s32 s10, $0x1;
	s10 =	sld [smem:$0x3FB6];
	_ =	sdelay $0x3  }
0x37: {  	[smem:$0x3FB6] =	sst s10  }
0x38: {  	s10 =	sld [smem:$0x3FB7]  }
0x39: {  	_ = 	snop;
	(pc) =	sbr.ind lr, $3  }
0x3a: {  	_ = 	snop  }
0x3b: {  	_ = 	snop  }
0x3c: {  	p2 =	seq.s32 s10, $0x1;
	s10 =	sld [smem:$0x3FB6]  }
0x3d: {  	_ =	shalt  }
0x3e: {  	_ =	shalt  }
0x3f: {  	_ =	shalt  }
0x40: {  	_ =	shalt  }
0x41: {  	_ =	shalt  }
0x42: {  	_ =	shalt  }
0x43: {  	_ =	shalt  }
0x44: {  	_ =	shalt  }
0x45: {  	_ =	shalt  }
0x46: {  	_ =	shalt  }
0x47: {  	_ =	shalt  }
0x48: {  	_ =	shalt  }
0x49: {  	_ =	shalt  }
0x4a: {  	_ =	shalt  }
0x4b: {  	_ =	shalt  }
0x4c: {  	_ =	shalt  }
0x4d: {  	_ =	shalt  }
0x4e: {  	_ =	shalt  }
0x4f: {  	_ =	shalt  }
0x50: {  	_ =	shalt  }
0x51: {  	_ =	shalt  }
0x52: {  	_ =	shalt  }
0x53: {  	_ =	shalt  }
0x54: {  	_ =	shalt  }
0x55: {  	_ =	shalt  }
0x56: {  	_ =	shalt  }
0x57: {  	_ =	shalt  }
0x58: {  	_ =	shalt  }
0x59: {  	_ =	shalt  }
0x5a: {  	_ =	shalt  }
0x5b: {  	_ =	shalt  }
0x5c: {  	_ =	shalt  }
0x5d: {  	_ =	shalt  }
0x5e: {  	_ =	shalt  }
0x5f: {  	_ =	shalt  }
0x60: {  	_ =	shalt  }
0x61: {  	_ =	shalt  }
0x62: {  	_ =	shalt  }
0x63: {  	_ =	shalt  }
0x64: {  	_ =	shalt  }
0x65: {  	_ =	shalt  }
0x66: {  	_ =	shalt  }
0x67: {  	_ =	shalt  }
0x68: {  	_ =	shalt  }
0x69: {  	_ =	shalt  }
0x6a: {  	_ =	shalt  }
0x6b: {  	_ =	shalt  }
0x6c: {  	_ =	shalt  }
0x6d: {  	_ =	shalt  }
0x6e: {  	_ =	shalt  }
0x6f: {  	_ =	shalt  }
0x70: {  	_ =	shalt  }
0x71: {  	_ =	shalt  }
0x72: {  	_ =	shalt  }
0x73: {  	_ =	shalt  }
0x74: {  	_ =	shalt  }
0x75: {  	_ =	shalt  }
0x76: {  	_ =	shalt  }
0x77: {  	_ =	shalt  }
0x78: {  	_ =	shalt  }
0x79: {  	_ =	shalt  }
0x7a: {  	_ =	shalt  }
0x7b: {  	_ =	shalt  }
0x7c: {  	_ =	shalt  }
0x7d: {  	_ =	shalt  }
0x7e: {  	_ =	shalt  }
0x7f: {  	_ =	shalt  }
0x80: {  	_ =	shalt  }
0x81: {  	_ =	shalt  }
0x82: {  	_ =	shalt  }
0x83: {  	_ =	shalt  }
0x84: {  	_ =	shalt  }
0x85: {  	_ =	shalt  }
0x86: {  	_ =	shalt  }
0x87: {  	_ =	shalt  }
.Lfunc_end0:
.L_simem_size_0:
called_computation_lowered:
.L_overlay_start_0:
0x88: {  	s2 =	sld [smem:$0x3FD9]  }
0x89: {  	s3 =	sld [smem:$0x3FFE];
	_ =	sdelay $0x1  }
0x8a: {  	s1 =	srdreg.scid  }
0x8b: {  	s0 =	sand.u32 $0x1, s1  }
0x8c: {  	s17 =	sshll.u32 s0, $0xA;
	s2 =	sadd.s32 s3, s2  }
0x8d: {  	s2 =	sadd.s32 s2, s17  }
0x8e: {  	[smem:$0x3FC2] =	sst s2  }
0x8f: {  	_ = 	snop  }
0x90: {  	s2 =	sld [smem:$0x3FD0];
	(tm) =	ssettm $0x1  }
0x91: {  	s18 =	sld [smem:$0x3FFB];
	_ =	sdelay $0x3  }
0x92: {  	_ =	strace s18  }
0x93: {  	s3 =	sld [smem:$0x3FFC];
	_ =	sdelay $0x3  }
0x94: {  	_ =	strace s3  }
0x95: {  	s3 =	sld [smem:$0x3FFD];
	_ =	sdelay $0x3  }
0x96: {  	_ =	strace s3  }
0x97: {  	_ =	strace $0x8FFFFFFF  }
0x98: {  	s19 =	sld [smem:$0x3FDB];
	_ =	sdelay $0x1  }
0x99: {  	s4 =	simm.s32 $_scs_section_size  }
0x9a: {  	s5 =	simm.s32 $_size__tile_overlayer_lowered;
	s6 =	simm.s32 $_tile_overlayer_lowered  }
0x9b: {  	s22 =	simm.s32 $0x1BFF;
	s21 =	sshll.u32 s6, $0x1;
	s3 =	sadd.s32 s4, s19  }
0x9c: {  	s7 =	simm.s32 $0x0;
	s20 =	sshll.u32 s5, $0x1;
	s5 =	sadd.s32 s21, s3  }
0x9d: {  	[timem:s7], [sflag:s22] =	dma.local [hbm:s5], s20  }
0x9e: {  	_ =	swait.ge [sflag:s22], s20  }
0x9f: {  	s4 =	ssub.s32 $0x0, s20;
	[sflag:s22] =	ssyncset.done $0x0  }
0xa0: {  	[sflag:s22] =	ssyncadd.s32 s4;
	_ =	sdelay $0x1  }
0xa1: {  	s23 =	simm.s32 $0x1B8B  }
0xa2: {  	_ =	swait.ge [sflag:s23], $0x1  }
0xa3: {  	[sflag:s23] =	ssyncset.done $0x0  }
0xa4: {  	s25 =	simm.s32 $0x1B8E;
	s24 =	sld [smem:$0x3FFE];
	[sflag:s23] =	ssyncadd.s32 $0xFFFFFFFF  }
0xa5: {  	s26 =	simm.s32 $execute0_lowered;
	[smem:$0x3FD2] =	sst s25  }
0xa6: {  	s5 =	sshll.u32 s26, $0x1;
	_ =	strace $0x80000046;
	[dreg:$0x1] =	wrdreg $0xFFFFFFFF  }
0xa7: {  	s28 =	simm.s32 $_size_execute0_lowered;
	s3 =	sadd.s32 s3, s5;
	[dreg:$0x0] =	wrdreg $0x0  }
0xa8: {  	s5 =	sshll.u32 s28, $0x1;
	[dreg:$0x2] =	wrdreg s3  }
0xa9: {  	[dreg:$0x3] =	wrdreg s5  }
0xaa: {  	[dreg:$0x4] =	wrdreg $0xC0  }
0xab: {  	_ =	task [dreg:s7], $0x5FFFF  }
0xac: {  	[dreg:$0x1] =	wrdreg $0xFFFFFFFF  }
0xad: {  	[dreg:$0x0] =	wrdreg $0x60  }
0xae: {  	[dreg:$0x2] =	wrdreg s2  }
0xaf: {  	[dreg:$0x3] =	wrdreg s24  }
0xb0: {  	[dreg:$0x4] =	wrdreg $0xB2200  }
0xb1: {  	[dreg:$0x5] =	wrdreg $0x9  }
0xb2: {  	_ =	task.clear_ibuf [dreg:s7], $0x6FFFF;
	_ =	strace $0x90000046  }
0xb3: {  	s29 =	simm.s32 $0x9;
	_ =	strace $0x8000004B  }
0xb4: {  	_ =	swait.ge [sflag:s29], $0x1  }
0xb5: {  	[sflag:s29] =	ssyncadd.s32 $0xFFFFFFFF  }
0xb6: {  	_ =	strace $0x9000004B  }
0xb7: {  	_ =	sfence  }
0xb8: {  	s30 =	sld [smem:$0x0];
	_ =	sdelay $0x2  }
0xb9: {  	s31 =	sshll.u32 s1, $0xD;
	s1 =	sshrl.u32 s1, $0x2  }
0xba: {  	s3 =	sand.u32 $0x4000, s31;
	s1 =	sadd.s32 s1, s30  }
0xbb: {  	s0 =	sor.u32 s3, s0;
	s1 =	sshll.u32 s1, $0x11  }
0xbc: {  	s0 =	sor.u32 s1, s0  }
0xbd: {  	s0 =	sadd.s32 $0x8F2B, s0  }
0xbe: {  	[sflag:s0] =	ssyncadd.remote.s32 $0x1  }
0xbf: {  	_ =	sfence.sel $0xFFFF  }
0xc0: {  	[dreg:$0x0] =	wrdreg $0xFFFFFFFF;
	(pc) =	sbr.abs _section_cstart, $3  }
0xc1: {  	[dreg:$0x1] =	wrdreg $0xFFFFFFFF  }
0xc2: {  	_ =	task.clear_ibuf [dreg:s7], $0x2FFFF;
	_ =	strace $0x9FFFFFFF  }
0xc3: {  	(tm) =	ssettm $0x7FFFFFFF  }
tec
execute0_lowered:
.L_overlay_start_1:
0x0: {  	(tag) =	ssettag $0x1  }
0x1: {  	s9 =	rddreg [dreg:$0x0]  }
0x2: {  	s5 =	rddreg [dreg:$0x1];
	s1 =	srdreg.scid  }
0x3: {  	s0 =	stileid.u32;
	s2 =	rddreg [dreg:$0x2]  }
0x4: {  	s3 =	simm.s32 $0x0;
	s14 =	simm.s32 $0x3;
	s15 =	simm.s32 $0x2710  }
0x5: {  	s16 =	simm.s32 $0xC8;
	s17 =	simm.s32 $0x8020;
	s18 =	simm.s32 $0x1  }
0x6: {  	s19 =	simm.s32 $0x2;
	s20 =	simm.s32 $0x4C90;
	s21 =	simm.s32 $0x4D58  }
0x7: {  	s6 =	sand.u32 $0x1, s1;
	s7 =	smul.u32 $0x14000, s0;
	s1 =	rddreg [dreg:$0x3]  }
0x8: {  	[smem:$0x7FF] =	sst s3;
	s4 =	sadd.s32 $0x1000, s5;
	s10 =	smul.u32 $0x28000, s0  }
0x9: {  	s8 =	smul.u32 $0x140000, s6;
	s11 =	sshll.u32 s6, $0x4;
	s25 =	ssub.s32 $0x2, s6  }
0xa: {  	_ =	strace $0x80000047;
	s26 =	sor.u32 s0, s11;
	s28 =	sshrl.u32 s25, $0x1  }
0xb: {  	s10 =	sshrl.u32 s10, $0x2;
	s29 =	sshrl.u32 s7, $0x1;
	s8 =	sadd.s32 s7, s8  }
0xc: {  	s11 =	smul.u32 $0x2710, s26;
	s13 =	ssub.s32 s25, s28;
	s30 =	sadd.s32 s10, s2  }
0xd: {  	s8 =	sshrl.u32 s8, $0x4;
	s6 =	sadd.s32 $0x3200, s30;
	s7 =	sadd.s32 $0x6400, s30  }
0xe: {  	s12 =	sadd.s32 s8, s5;
	s5 =	sadd.s32 s29, s2;
	s31 =	sshrl.u32 s11, $0x3  }
0xf: {  	s8 =	sadd.s32 $0x9600, s30;
	s9 =	sadd.s32 s9, s31;
	s11 =	sadd.s32 $0x14A00, s12  }
0x10: {  	v0 =	vimm.bf16 $0.0e+00;
	s12 =	smax.u32 s13, $0x1;
	s13 =	simm.s32 $0x4E20;
	s10 =	sadd.s32 $0x9C40, s9  }
.LBB2_1:
0x11: {  	_ =	strace $0x80000048;
	s23 =	simm.s32 $0x100;
	s22 =	simm.s32 $0x0  }
.LBB2_2:
0x12: {  	p0 =	sne.s32 s23, $0xC700;
	[tilespmem:s22+$0x4E50] =	vst v0;
	s24 =	smov.u32 s23;
	s23 =	sadd.s32 $0x100, s23  }
.Ltmp0:
0x13: {  	[tilespmem:s22+$0x4E40] =	vst v0;
	(pc) =	sbr.rel @p0 .LBB2_2-.Ltmp0, $3  }
0x14: {  	[tilespmem:s22+$0x4E20] =	vst v0  }
0x15: {  	[tilespmem:s22+$0x4E30] =	vst v0;
	_ =	sdelay $0x1  }
0x16: {  	s22 =	sshra.s32 s24, $0x2  }
0x17: {  	[tilespmem:s22+$0x4E50] =	vst v0  }
0x18: {  	[tilespmem:s22+$0x4E40] =	vst v0  }
0x19: {  	[tilespmem:s22+$0x4E20] =	vst v0  }
0x1a: {  	[tilespmem:s22+$0x4E30] =	vst v0  }
0x1b: {  	[spmem:s5] =	stream.linear.scatter [tilespmem:s13], [sflag:$0x3], $0x3200, $0x200038;
	[tilespmem:$0x15220] =	vst v63  }
0x1c: {  	_ =	swait.ge [sflag:s14], $0x3200  }
0x1d: {  	[sflag:s14] =	ssyncset.done $0x0  }
0x1e: {  	[sflag:s14] =	ssyncadd.s32 $0xFFFFCE00  }
0x1f: {  	[spmem:s6] =	stream.linear.scatter [tilespmem:s13], [sflag:$0x3], $0x3200, $0x200038;
	[tilespmem:$0x15220] =	vst v63  }
0x20: {  	_ =	swait.ge [sflag:s14], $0x3200  }
0x21: {  	[sflag:s14] =	ssyncset.done $0x0  }
0x22: {  	[sflag:s14] =	ssyncadd.s32 $0xFFFFCE00  }
0x23: {  	[spmem:s7] =	stream.linear.scatter [tilespmem:s13], [sflag:$0x3], $0x3200, $0x200038;
	[tilespmem:$0x15220] =	vst v63  }
0x24: {  	_ =	swait.ge [sflag:s14], $0x3200  }
0x25: {  	[sflag:s14] =	ssyncset.done $0x0  }
0x26: {  	[sflag:s14] =	ssyncadd.s32 $0xFFFFCE00  }
0x27: {  	[spmem:s8] =	stream.linear.scatter [tilespmem:s13], [sflag:$0x3], $0xA00, $0x200038;
	[tilespmem:$0x15220] =	vst v63  }
0x28: {  	_ =	swait.ge [sflag:s14], $0xA00  }
0x29: {  	[sflag:s14] =	ssyncset.done $0x0  }
0x2a: {  	s28 =	simm.s32 $0x0;
	[sflag:s14] =	ssyncadd.s32 $0xFFFFF600  }
0x2b: {  	[tilespmem:s28], [sflag:$0x3] =	stream.linear.gather [hbm4b:s9+s28], $0x2710, $0x200038;
	[tilespmem:$0x15220] =	vst v63  }
0x2c: {  	_ =	swait.ge [sflag:s14], $0x2710  }
0x2d: {  	[sflag:s14] =	ssyncset.done $0x0  }
0x2e: {  	[sflag:s14] =	ssyncadd.s32 $0xFFFFD8F0  }
0x2f: {  	[tilespmem:s15], [sflag:$0x3] =	stream.linear.gather [hbm4b:s10+s28], $0x2710, $0x200038;
	[tilespmem:$0x15220] =	vst v63  }
0x30: {  	_ =	swait.ge [sflag:s14], $0x2710  }
0x31: {  	[sflag:s14] =	ssyncset.done $0x0  }
0x32: {  	[sflag:s14] =	ssyncadd.s32 $0xFFFFD8F0  }
0x33: {  	[bflag:$0x0] =	sbarrier.arrive $0xFFFF  }
0x34: {  	_ =	strace $0x90000048  }
0x35: {  	_ =	strace $0x80000049  }
0x36: {  	[tilespmem:s13], [sflag:$0x1] =	stream.indirect.gather [hbm4b:s4+s16], $0x40, s28, s16, $0x2000b8;
	[tilespmem:$0x15220] =	vst v63  }
0x37: {  	_ = 	snop  }
0x38: {  	[tilespmem:s17], [sflag:$0x2] =	stream.indirect.gather [hbm4b:s4+s16], $0x40, s16, s16, $0x2000b8;
	[tilespmem:$0x15220] =	vst v63  }
0x39: {  	_ =	swait.ge [sflag:s18], $0x3200  }
0x3a: {  	[sflag:s18] =	ssyncset.done $0x0  }
0x3b: {  	s29 =	simm.s32 $0x2710;
	[sflag:s18] =	ssyncadd.s32 $0xFFFFCE00  }
0x3c: {  	[spmem:s2] =	stream.indirect.scatter.add.bf16 [tilespmem:s13], [sflag:$0x3], $0x40, s29, s16, $0x2000b8;
	[tilespmem:$0x15220] =	vst v63  }
0x3d: {  	_ =	swait.ge [sflag:s14], $0x3200  }
0x3e: {  	[sflag:s14] =	ssyncset.done $0x0  }
0x3f: {  	s30 =	simm.s32 $0x190;
	[sflag:s14] =	ssyncadd.s32 $0xFFFFCE00  }
0x40: {  	[tilespmem:s13], [sflag:$0x1] =	stream.indirect.gather [hbm4b:s4+s16], $0x40, s30, s16, $0x2000b8;
	[tilespmem:$0x15220] =	vst v63  }
0x41: {  	_ =	swait.ge [sflag:s19], $0x3200  }
0x42: {  	[sflag:s19] =	ssyncset.done $0x0  }
0x43: {  	s31 =	simm.s32 $0x27D8;
	[sflag:s19] =	ssyncadd.s32 $0xFFFFCE00  }
0x44: {  	[spmem:s2] =	stream.indirect.scatter.add.bf16 [tilespmem:s17], [sflag:$0x3], $0x40, s31, s16, $0x2000b8;
	[tilespmem:$0x15220] =	vst v63  }
0x45: {  	_ =	swait.ge [sflag:s14], $0x3200  }
0x46: {  	[sflag:s14] =	ssyncset.done $0x0  }
0x47: {  	s22 =	simm.s32 $0x640;
	s23 =	simm.s32 $0x258;
	[sflag:s14] =	ssyncadd.s32 $0xFFFFCE00  }
.LBB2_4:
0x48: {  	[tilespmem:s17], [sflag:$0x2] =	stream.indirect.gather [hbm4b:s4+s16], $0x40, s23, s16, $0x2000b8;
	[tilespmem:$0x15220] =	vst v63  }
0x49: {  	s23 =	smov.u32 s22  }
0x4a: {  	p0 =	sne.s32 s22, $0x8FC0;
	s22 =	sadd.s32 $0x640, s22;
	_ =	swait.ge [sflag:s18], $0x3200  }
0x4b: {  	s23 =	sshra.s32 s23, $0x2;
	[sflag:s18] =	ssyncset.done $0x0  }
0x4c: {  	s24 =	sadd.s32 $0x2710, s23;
	[sflag:s18] =	ssyncadd.s32 $0xFFFFCE00  }
0x4d: {  	[spmem:s2] =	stream.indirect.scatter.add.bf16 [tilespmem:s13], [sflag:$0x3], $0x40, s24, s16, $0x2000b8;
	[tilespmem:$0x15220] =	vst v63  }
0x4e: {  	_ =	swait.ge [sflag:s14], $0x3200  }
0x4f: {  	[sflag:s14] =	ssyncset.done $0x0  }
0x50: {  	s24 =	sadd.s32 $0x190, s23;
	[sflag:s14] =	ssyncadd.s32 $0xFFFFCE00  }
0x51: {  	[tilespmem:s13], [sflag:$0x1] =	stream.indirect.gather [hbm4b:s4+s16], $0x40, s24, s16, $0x2000b8;
	[tilespmem:$0x15220] =	vst v63  }
0x52: {  	_ =	swait.ge [sflag:s19], $0x3200  }
0x53: {  	[sflag:s19] =	ssyncset.done $0x0  }
.Ltmp1:
0x54: {  	s24 =	sadd.s32 $0x27D8, s23;
	[sflag:s19] =	ssyncadd.s32 $0xFFFFCE00;
	(pc) =	sbr.rel @p0 .LBB2_4-.Ltmp1, $4  }
0x55: {  	[spmem:s2] =	stream.indirect.scatter.add.bf16 [tilespmem:s17], [sflag:$0x3], $0x40, s24, s16, $0x2000b8;
	[tilespmem:$0x15220] =	vst v63  }
0x56: {  	_ =	swait.ge [sflag:s14], $0x3200  }
0x57: {  	[sflag:s14] =	ssyncset.done $0x0  }
0x58: {  	s23 =	sadd.s32 $0x258, s23;
	[sflag:s14] =	ssyncadd.s32 $0xFFFFCE00  }
0x59: {  	[tilespmem:s17], [sflag:$0x2] =	stream.indirect.gather [hbm4b:s4+s16], $0x40, s23, s16, $0x2000b8;
	[tilespmem:$0x15220] =	vst v63  }
0x5a: {  	_ =	swait.ge [sflag:s18], $0x3200  }
0x5b: {  	[sflag:s18] =	ssyncset.done $0x0  }
0x5c: {  	[sflag:s18] =	ssyncadd.s32 $0xFFFFCE00  }
0x5d: {  	[spmem:s2] =	stream.indirect.scatter.add.bf16 [tilespmem:s13], [sflag:$0x3], $0x40, s20, s16, $0x2000b8;
	[tilespmem:$0x15220] =	vst v63  }
0x5e: {  	_ =	swait.ge [sflag:s14], $0x3200  }
0x5f: {  	[sflag:s14] =	ssyncset.done $0x0  }
0x60: {  	[sflag:s14] =	ssyncadd.s32 $0xFFFFCE00  }
0x61: {  	_ =	swait.ge [sflag:s19], $0x3200  }
0x62: {  	[sflag:s19] =	ssyncset.done $0x0  }
0x63: {  	[sflag:s19] =	ssyncadd.s32 $0xFFFFCE00  }
0x64: {  	[spmem:s2] =	stream.indirect.scatter.add.bf16 [tilespmem:s17], [sflag:$0x3], $0x40, s21, s16, $0x2000b8;
	[tilespmem:$0x15220] =	vst v63  }
0x65: {  	_ =	swait.ge [sflag:s14], $0x3200  }
0x66: {  	[sflag:s14] =	ssyncset.done $0x0  }
0x67: {  	[sflag:s14] =	ssyncadd.s32 $0xFFFFCE00  }
0x68: {  	s22 =	sshll.u32 s0, $0x6;
	_ =	strace $0x90000049  }
0x69: {  	s31 =	sshrl.u32 s5, $0x3;
	s3 =	sadd.s32 $0x1, s3;
	_ =	strace $0x8000004A  }
0x6a: {  	s22 =	sor.u32 $0x1C03, s22;
	p0 =	sne.s32 s3, s12;
	[bflag:$0x0] =	sbarrier.arrive $0xFFFF  }
0x6b: {  	[hbm:s11], [sflag:s22] =	dma.local [spmem:s31], $0x1400  }
.Ltmp2:
0x6c: {  	_ = 	snop;
	(pc) =	sbr.rel @p0 .LBB2_1-.Ltmp2, $4  }
0x6d: {  	_ =	swait.ge [sflag:s14], $0x1400  }
0x6e: {  	[sflag:s14] =	ssyncset.done $0x0  }
0x6f: {  	[sflag:s14] =	ssyncadd.s32 $0xFFFFEC00  }
0x70: {  	_ =	strace $0x9000004A  }
0x71: {  	_ =	sfence.sel $0x180000  }
0x72: {  	[bflag:$0x0] =	sbarrier.arrive $0xFFFF  }
0x73: {  	p0 =	sne.s32 s0, $0x0;
	_ =	strace $0x90000047  }
0x74: {  	s0 =	sadd.s32 @!p0 $0x100000, s1;
	[bflag:$0x2] =	sbarrier.arrive $0xFFFF  }
0x75: {  	[sflag:s0] =	ssyncadd.tile.s32 @!p0 $0x1;
	_ =	shalt  }
.Lfunc_end2:
_tile_overlayer_lowered:
.L_overlay_start_2:
0x76: {  	(tag) =	ssettag $0x2  }
0x77: {  	s0 =	rddreg [dreg:$0x0];
	s2 =	stileid.u32  }
0x78: {  	s1 =	rddreg [dreg:$0x1];
	p0 =	sne.s32 s2, $0x0  }
0x79: {  	s3 =	rddreg [dreg:$0x2];
	[bflag:$0x3] =	sbarrier.arrive $0xFFFF;
	s2 =	simm.s32 @!p0 $0x1C03  }
0x7a: {  	[timem:s3], [sflag:s2] =	dma.local @!p0 [hbm:s0], s1  }
0x7b: {  	s0 =	simm.s32 @!p0 $0x3  }
0x7c: {  	_ =	swait.ge @!p0 [sflag:s0], s1  }
0x7d: {  	s1 =	ssub.s32 @!p0 $0x0, s1;
	[sflag:s0] =	ssyncset.done @!p0 $0x0  }
0x7e: {  	[sflag:s0] =	ssyncadd.s32 @!p0 s1  }
0x7f: {  	[bflag:$0x3] =	sbarrier.arrive $0xFFFF  }
0x80: {  	_ =	shalt  }

</sc_bundles>
